<compile_context>
chip_gen: v7x
topology: tpu7x:2x2x1
jax: 0.10.2.dev20260603
libtpu: 0.0.44.dev20260713+nightly
codegen_flags: <defaults>
</compile_context>

<pallas_src>
import functools

import jax
import jax.numpy as jnp
from jax import lax
from jax.experimental import pallas as pl
from jax.experimental.pallas import tpu as pltpu
from jax.experimental.pallas import tpu_sc as plsc

B, N, G = 8, 512, 256
H1, H2 = 512, 512
M = B * N
BLK = 256
NBLK = M // BLK
NW = 32
CHUNK = M // NW
NVEC = M // 16



def _sc_route_body(types_hbm, gs_hbm, xs_hbm, seg_hbm, n0_hbm,
                   t_v, dst_v, seg_v, rows_v, n0_v, sem1, sem2):
    wid = lax.axis_index("s") * 2 + lax.axis_index("c")
    base = wid * CHUNK
    my_first_vec = wid * (CHUNK // 16)

    zero = jnp.zeros((16,), jnp.int32)
    n0 = base
    zoff = base
    ooff = base

    lane = lax.iota(jnp.int32, 16)
    seg_val = zero + wid // (N // CHUNK)
    for v in range(CHUNK // 16):
        dst_v[pl.ds(v * 16, 16)] = zoff + v * 16 + lane
        seg_v[pl.ds(v * 16, 16)] = seg_val

    cp_seg = pltpu.async_copy(seg_v, seg_hbm.at[pl.ds(base, CHUNK)], sem2)
    cp_seg.wait()

    @pl.when(wid == 0)
    def _():
        n0_v[...] = zero + n0
        pltpu.sync_copy(n0_v, n0_hbm)


@functools.cache
def _sc_route_kernel():
    return pl.kernel(
        _sc_route_body,
        out_type=(jax.ShapeDtypeStruct((M, G), jnp.float32),
                  jax.ShapeDtypeStruct((M,), jnp.int32),
                  jax.ShapeDtypeStruct((16,), jnp.int32)),
        mesh=plsc.VectorSubcoreMesh(core_axis_name="c", subcore_axis_name="s",
                                    num_cores=2, num_subcores=16),
        scratch_types=[pltpu.VMEM((M,), jnp.int32),
                       pltpu.VMEM((CHUNK,), jnp.int32),
                       pltpu.VMEM((CHUNK,), jnp.int32),
                       pltpu.VMEM((CHUNK, G), jnp.float32),
                       pltpu.VMEM((16,), jnp.int32),
                       pltpu.SemaphoreType.DMA,
                       pltpu.SemaphoreType.DMA],
        compiler_params=pltpu.CompilerParams(needs_layout_passes=False),
    )


def _sc_route(types_flat, gs_flat):
    return _sc_route_kernel()(types_flat, gs_flat)



def _tc_body(n0_ref, consts_ref, seg_ref, x_ref,
             w1h, b1h, w2h, b2h, w3h,
             w1o, b1o, w2o, b2o, w3o,
             out_ref, acch_ref, acco_ref, cnt_ref):
    k = pl.program_id(0)

    @pl.when(k == 0)
    def _init():
        acch_ref[...] = jnp.zeros_like(acch_ref)
        acco_ref[...] = jnp.zeros_like(acco_ref)
        cnt_ref[...] = jnp.zeros_like(cnt_ref)

    n0 = n0_ref[0]
    x = x_ref[...].astype(jnp.bfloat16)
    seg = seg_ref[k, 0, :]
    iota8 = lax.broadcasted_iota(jnp.int32, (B, BLK), 0)
    rowid = lax.broadcasted_iota(jnp.int32, (B, BLK), 1) + k * BLK
    in_struct = iota8 == seg[None, :]
    oh_h = jnp.where(in_struct & (rowid < n0), 1.0, 0.0)
    oh_o = jnp.where(in_struct & (rowid >= n0), 1.0, 0.0)
    cnt_ref[...] += jnp.sum(oh_h, axis=1, keepdims=True)

    def mlp(w1, b1, w2, b2):
        p = jnp.dot(x, w1[...], preferred_element_type=jnp.float32) + b1[...]
        h = jnp.tanh(p.astype(jnp.bfloat16))
        p2 = jnp.dot(h, w2[...], preferred_element_type=jnp.float32) + b2[...]
        return jnp.tanh(p2.astype(jnp.bfloat16))

    @pl.when(k * BLK < n0)
    def _do_h():
        acch_ref[...] += jnp.dot(oh_h.astype(jnp.bfloat16),
                                 mlp(w1h, b1h, w2h, b2h),
                                 preferred_element_type=jnp.float32)

    @pl.when(k * BLK + BLK > n0)
    def _do_o():
        acco_ref[...] += jnp.dot(oh_o.astype(jnp.bfloat16),
                                 mlp(w1o, b1o, w2o, b2o),
                                 preferred_element_type=jnp.float32)

    @pl.when(k == pl.num_programs(0) - 1)
    def _fin():
        s_h = jnp.sum(acch_ref[...] * w3h[...], axis=1, keepdims=True)
        s_o = jnp.sum(acco_ref[...] * w3o[...], axis=1, keepdims=True)
        n_h = cnt_ref[:, :1]
        const = consts_ref[0] * n_h + consts_ref[1] * (N - n_h)
        out_ref[...] = (s_h + s_o + const) * (1.0 / N)


@functools.partial(jax.jit, static_argnames=())
def kernel(types, Gs, W1_H, b1_H, W2_H, b2_H, W3_H, b3_H, off_H,
           W1_O, b1_O, W2_O, b2_O, W3_O, b3_O, off_O):
    types_flat = types.reshape(M)
    gs_flat = Gs.reshape(M, G)
    xs, seg, n0arr = _sc_route(types_flat, gs_flat)
    seg3d = seg.reshape(NBLK, 1, BLK)
    n0s = n0arr[:1]
    consts = jnp.stack([b3_H[0] + off_H, b3_O[0] + off_O])

    def full(a):
        return pl.BlockSpec(a.shape, lambda k: (0,) * a.ndim)

    args = [
        seg3d, xs,
        W1_H.astype(jnp.bfloat16), b1_H.reshape(1, H1),
        W2_H.astype(jnp.bfloat16), b2_H.reshape(1, H2),
        W3_H.reshape(1, H2),
        W1_O.astype(jnp.bfloat16), b1_O.reshape(1, H1),
        W2_O.astype(jnp.bfloat16), b2_O.reshape(1, H2),
        W3_O.reshape(1, H2),
    ]
    in_specs = [
        pl.BlockSpec((1,), lambda k: (0,), memory_space=pltpu.SMEM),
        pl.BlockSpec((2,), lambda k: (0,), memory_space=pltpu.SMEM),
        full(seg3d),
        pl.BlockSpec((BLK, G), lambda k: (k, 0)),
    ] + [full(a) for a in args[2:]]

    out = pl.pallas_call(
        _tc_body,
        grid=(NBLK,),
        in_specs=in_specs,
        out_specs=pl.BlockSpec((B, 1), lambda k: (0, 0)),
        out_shape=jax.ShapeDtypeStruct((B, 1), jnp.float32),
        scratch_shapes=[pltpu.VMEM((B, H2), jnp.float32),
                        pltpu.VMEM((B, H2), jnp.float32),
                        pltpu.VMEM((B, 128), jnp.float32)],
        compiler_params=pltpu.CompilerParams(
            dimension_semantics=("arbitrary",)),
    )(n0s, consts, *args)
    return out

# --- scband reference (transcript-rebuilt; emitter-appended) ---
"""Pipeline reference for scband-behler-parrinello-3659312136806 (READ-ONLY COPY).

The authoritative reference and input builder live on the scoring server;
editing this copy changes nothing except your own understanding.
"""

import jax, jax.numpy as jnp
import numpy as np

B, N, G = 8, 512, 256
H1, H2 = 512, 512


def _init_ann(key, g, h1, h2):
    k1, k2, k3 = jax.random.split(key, 3)
    W1 = jax.random.normal(k1, (g, h1), dtype=jnp.float32) / np.sqrt(g)
    b1 = jnp.zeros((h1,), dtype=jnp.float32)
    W2 = jax.random.normal(k2, (h1, h2), dtype=jnp.float32) / np.sqrt(h1)
    b2 = jnp.zeros((h2,), dtype=jnp.float32)
    W3 = jax.random.normal(k3, (h2, 1), dtype=jnp.float32) / np.sqrt(h2)
    b3 = jnp.zeros((1,), dtype=jnp.float32)
    off = jnp.zeros((), dtype=jnp.float32)
    return W1, b1, W2, b2, W3, b3, off


def setup_inputs(seed: int = 0) -> dict:
    key = jax.random.key(seed)
    ks = jax.random.split(key, 4)
    types = jax.random.randint(ks[0], (B, N), 0, 2, dtype=jnp.int32)
    Gs = jax.random.normal(ks[1], (B, N, G), dtype=jnp.float32)
    W1_H, b1_H, W2_H, b2_H, W3_H, b3_H, off_H = _init_ann(ks[2], G, H1, H2)
    W1_O, b1_O, W2_O, b2_O, W3_O, b3_O, off_O = _init_ann(ks[3], G, H1, H2)
    return {
        "types": types, "Gs": Gs,
        "W1_H": W1_H, "b1_H": b1_H, "W2_H": W2_H, "b2_H": b2_H,
        "W3_H": W3_H, "b3_H": b3_H, "off_H": off_H,
        "W1_O": W1_O, "b1_O": b1_O, "W2_O": W2_O, "b2_O": b2_O,
        "W3_O": W3_O, "b3_O": b3_O, "off_O": off_O,
    }


def _ann(x, W1, b1, W2, b2, W3, b3, off):
    h = jnp.tanh(x @ W1 + b1)
    h = jnp.tanh(h @ W2 + b2)
    return x @ jnp.zeros((G, 1), x.dtype) + h @ W3 + b3 + off if False else h @ W3 + b3 + off


def reference(types, Gs, W1_H, b1_H, W2_H, b2_H, W3_H, b3_H, off_H,
              W1_O, b1_O, W2_O, b2_O, W3_O, b3_O, off_O):
    # body_partition_stitch: partition atoms by type, run per-type atomic NN,
    # stitch back per-atom energies (expressed as dense compute + select,
    # mathematically identical to dynamic_partition/dynamic_stitch).
    flat_G = Gs.reshape(-1, G)
    e_H = _ann(flat_G, W1_H, b1_H, W2_H, b2_H, W3_H, b3_H, off_H)
    e_O = _ann(flat_G, W1_O, b1_O, W2_O, b2_O, W3_O, b3_O, off_O)
    flat_types = types.reshape(-1, 1)
    atomic_energies = jnp.where(flat_types == 0, e_H, e_O).reshape(B, N, 1)
    # energy = sum over atoms in each structure
    energy = jnp.sum(atomic_energies, axis=-2)  # [B, 1]
    number_of_atoms = jnp.full((B, 1), N, dtype=energy.dtype)
    energy_per_atom = energy / number_of_atoms
    return energy_per_atom

if __name__ == "__main__":
    import jax
    _d = setup_inputs()
    print(jax.jit(kernel)(*tuple(_d.values())))

</pallas_src>

<mosaic_0001>
#map = affine_map<(d0, d1) -> (0)>
#map1 = affine_map<(d0, d1) -> (0, 0)>
module attributes {stable_mosaic.version = 14 : i64} {
  func.func @_sc_route_body(%arg0: i32, %arg1: i32, %arg2: memref<4096xi32, #tpu.memory_space<hbm>>, %arg3: memref<4096x256xf32, #tpu.memory_space<hbm>>, %arg4: memref<4096x256xf32, #tpu.memory_space<hbm>>, %arg5: memref<4096xi32, #tpu.memory_space<hbm>>, %arg6: memref<16xi32, #tpu.memory_space<hbm>>, %arg7: memref<4096xi32, #tpu.memory_space<vmem>>, %arg8: memref<128xi32, #tpu.memory_space<vmem>>, %arg9: memref<128xi32, #tpu.memory_space<vmem>>, %arg10: memref<128x256xf32, #tpu.memory_space<vmem>>, %arg11: memref<16xi32, #tpu.memory_space<vmem>>, %arg12: memref<!tpu.dma_semaphore, #tpu.memory_space<semaphore_mem>>, %arg13: memref<!tpu.dma_semaphore, #tpu.memory_space<semaphore_mem>>) attributes {dimension_semantics = [#tpu.dimension_semantics<core_parallel>, #tpu.dimension_semantics<subcore_parallel>], iteration_bounds = array<i64: 2, 16>, scalar_prefetch = 0 : i64, scratch_operands = 7 : i64, tpu.core_type = #tpu.core_type<sc_vector_subcore>, window_params = [{transform_indices = #map}, {transform_indices = #map1}, {transform_indices = #map1}, {transform_indices = #map}, {transform_indices = #map}]} {
    %mul3A = arith.constant 2 : i32
    %mul3A_0 = arith.muli %arg1, %mul3A : i32
    %add3A = arith.addi %mul3A_0, %arg0 : i32
    %mul3A_1 = arith.constant 128 : i32
    %mul3A_2 = arith.muli %add3A, %mul3A_1 : i32
    %mul3A_3 = arith.constant 8 : i32
    %mul3A_4 = arith.muli %add3A, %mul3A_3 : i32
    %broadcast_in_dim3A = arith.constant 0 : i32
    %broadcast_in_dim3A_5 = vector.broadcast %broadcast_in_dim3A : i32 to vector<16xi32>
    %iota3A = tpu.iota {dimensions = array<i32: 0>} : vector<16xi32>
    %jit3A = arith.constant 4 : i32
    %div3A = arith.divsi %add3A, %jit3A : i32
    %sign3A = arith.constant 0 : i32
    %sign3A_6 = arith.cmpi sgt, %add3A, %sign3A : i32
    %sign3A_7 = arith.extui %sign3A_6 : i1 to i32
    %sign3A_8 = arith.constant 0 : i32
    %sign3A_9 = arith.cmpi slt, %add3A, %sign3A_8 : i32
    %sign3A_10 = arith.extui %sign3A_9 : i1 to i32
    %sign3A_11 = arith.subi %sign3A_7, %sign3A_10 : i32
    %sign3A_12 = arith.constant 0 : i32
    %sign3A_13 = arith.cmpi sgt, %jit3A, %sign3A_12 : i32
    %sign3A_14 = arith.extui %sign3A_13 : i1 to i32
    %sign3A_15 = arith.constant 0 : i32
    %sign3A_16 = arith.cmpi slt, %jit3A, %sign3A_15 : i32
    %sign3A_17 = arith.extui %sign3A_16 : i1 to i32
    %sign3A_18 = arith.subi %sign3A_14, %sign3A_17 : i32
    %ne3A = arith.cmpi ne, %sign3A_11, %sign3A_18 : i32
    %rem3A = arith.remsi %add3A, %jit3A : i32
    %ne3A_19 = arith.constant 0 : i32
    %ne3A_20 = arith.cmpi ne, %rem3A, %ne3A_19 : i32
    %and3A = arith.andi %ne3A, %ne3A_20 : i1
    %sub3A = arith.constant 1 : i32
    %sub3A_21 = arith.subi %div3A, %sub3A : i32
    %select_n3A = arith.select %and3A, %sub3A_21, %div3A : i32
    %add3A_22 = vector.broadcast %select_n3A : i32 to vector<16xi32>
    %add3A_23 = arith.addi %broadcast_in_dim3A_5, %add3A_22 : vector<16xi32>
    %add3A_24 = arith.constant 0 : i32
    %add3A_25 = arith.addi %mul3A_2, %add3A_24 : i32
    %add3A_26 = vector.broadcast %add3A_25 : i32 to vector<16xi32>
    %add3A_27 = arith.addi %add3A_26, %iota3A : vector<16xi32>
    %swap3A = arith.constant 0 : index
    %swap3A_28 = tpu.vector_load %arg8[%swap3A] {strides = array<i32>} : memref<128xi32, #tpu.memory_space<vmem>>, vector<16xi32>,
    tpu.vector_store %arg8[%swap3A], %add3A_27 {strides = array<i32>} : memref<128xi32, #tpu.memory_space<vmem>>, vector<16xi32>,
    %swap3A_29 = arith.constant 0 : index
    %swap3A_30 = tpu.vector_load %arg9[%swap3A_29] {strides = array<i32>} : memref<128xi32, #tpu.memory_space<vmem>>, vector<16xi32>,
    tpu.vector_store %arg9[%swap3A_29], %add3A_23 {strides = array<i32>} : memref<128xi32, #tpu.memory_space<vmem>>, vector<16xi32>,
    %add3A_31 = arith.constant 16 : i32
    %add3A_32 = arith.addi %mul3A_2, %add3A_31 : i32
    %add3A_33 = vector.broadcast %add3A_32 : i32 to vector<16xi32>
    %add3A_34 = arith.addi %add3A_33, %iota3A : vector<16xi32>
    %swap3A_35 = arith.constant 16 : index
    %swap3A_36 = tpu.vector_load %arg8[%swap3A_35] {strides = array<i32>} : memref<128xi32, #tpu.memory_space<vmem>>, vector<16xi32>,
    tpu.vector_store %arg8[%swap3A_35], %add3A_34 {strides = array<i32>} : memref<128xi32, #tpu.memory_space<vmem>>, vector<16xi32>,
    %swap3A_37 = arith.constant 16 : index
    %swap3A_38 = tpu.vector_load %arg9[%swap3A_37] {strides = array<i32>} : memref<128xi32, #tpu.memory_space<vmem>>, vector<16xi32>,
    tpu.vector_store %arg9[%swap3A_37], %add3A_23 {strides = array<i32>} : memref<128xi32, #tpu.memory_space<vmem>>, vector<16xi32>,
    %add3A_39 = arith.constant 32 : i32
    %add3A_40 = arith.addi %mul3A_2, %add3A_39 : i32
    %add3A_41 = vector.broadcast %add3A_40 : i32 to vector<16xi32>
    %add3A_42 = arith.addi %add3A_41, %iota3A : vector<16xi32>
    %swap3A_43 = arith.constant 32 : index
    %swap3A_44 = tpu.vector_load %arg8[%swap3A_43] {strides = array<i32>} : memref<128xi32, #tpu.memory_space<vmem>>, vector<16xi32>,
    tpu.vector_store %arg8[%swap3A_43], %add3A_42 {strides = array<i32>} : memref<128xi32, #tpu.memory_space<vmem>>, vector<16xi32>,
    %swap3A_45 = arith.constant 32 : index
    %swap3A_46 = tpu.vector_load %arg9[%swap3A_45] {strides = array<i32>} : memref<128xi32, #tpu.memory_space<vmem>>, vector<16xi32>,
    tpu.vector_store %arg9[%swap3A_45], %add3A_23 {strides = array<i32>} : memref<128xi32, #tpu.memory_space<vmem>>, vector<16xi32>,
    %add3A_47 = arith.constant 48 : i32
    %add3A_48 = arith.addi %mul3A_2, %add3A_47 : i32
    %add3A_49 = vector.broadcast %add3A_48 : i32 to vector<16xi32>
    %add3A_50 = arith.addi %add3A_49, %iota3A : vector<16xi32>
    %swap3A_51 = arith.constant 48 : index
    %swap3A_52 = tpu.vector_load %arg8[%swap3A_51] {strides = array<i32>} : memref<128xi32, #tpu.memory_space<vmem>>, vector<16xi32>,
    tpu.vector_store %arg8[%swap3A_51], %add3A_50 {strides = array<i32>} : memref<128xi32, #tpu.memory_space<vmem>>, vector<16xi32>,
    %swap3A_53 = arith.constant 48 : index
    %swap3A_54 = tpu.vector_load %arg9[%swap3A_53] {strides = array<i32>} : memref<128xi32, #tpu.memory_space<vmem>>, vector<16xi32>,
    tpu.vector_store %arg9[%swap3A_53], %add3A_23 {strides = array<i32>} : memref<128xi32, #tpu.memory_space<vmem>>, vector<16xi32>,
    %add3A_55 = arith.constant 64 : i32
    %add3A_56 = arith.addi %mul3A_2, %add3A_55 : i32
    %add3A_57 = vector.broadcast %add3A_56 : i32 to vector<16xi32>
    %add3A_58 = arith.addi %add3A_57, %iota3A : vector<16xi32>
    %swap3A_59 = arith.constant 64 : index
    %swap3A_60 = tpu.vector_load %arg8[%swap3A_59] {strides = array<i32>} : memref<128xi32, #tpu.memory_space<vmem>>, vector<16xi32>,
    tpu.vector_store %arg8[%swap3A_59], %add3A_58 {strides = array<i32>} : memref<128xi32, #tpu.memory_space<vmem>>, vector<16xi32>,
    %swap3A_61 = arith.constant 64 : index
    %swap3A_62 = tpu.vector_load %arg9[%swap3A_61] {strides = array<i32>} : memref<128xi32, #tpu.memory_space<vmem>>, vector<16xi32>,
    tpu.vector_store %arg9[%swap3A_61], %add3A_23 {strides = array<i32>} : memref<128xi32, #tpu.memory_space<vmem>>, vector<16xi32>,
    %add3A_63 = arith.constant 80 : i32
    %add3A_64 = arith.addi %mul3A_2, %add3A_63 : i32
    %add3A_65 = vector.broadcast %add3A_64 : i32 to vector<16xi32>
    %add3A_66 = arith.addi %add3A_65, %iota3A : vector<16xi32>
    %swap3A_67 = arith.constant 80 : index
    %swap3A_68 = tpu.vector_load %arg8[%swap3A_67] {strides = array<i32>} : memref<128xi32, #tpu.memory_space<vmem>>, vector<16xi32>,
    tpu.vector_store %arg8[%swap3A_67], %add3A_66 {strides = array<i32>} : memref<128xi32, #tpu.memory_space<vmem>>, vector<16xi32>,
    %swap3A_69 = arith.constant 80 : index
    %swap3A_70 = tpu.vector_load %arg9[%swap3A_69] {strides = array<i32>} : memref<128xi32, #tpu.memory_space<vmem>>, vector<16xi32>,
    tpu.vector_store %arg9[%swap3A_69], %add3A_23 {strides = array<i32>} : memref<128xi32, #tpu.memory_space<vmem>>, vector<16xi32>,
    %add3A_71 = arith.constant 96 : i32
    %add3A_72 = arith.addi %mul3A_2, %add3A_71 : i32
    %add3A_73 = vector.broadcast %add3A_72 : i32 to vector<16xi32>
    %add3A_74 = arith.addi %add3A_73, %iota3A : vector<16xi32>
    %swap3A_75 = arith.constant 96 : index
    %swap3A_76 = tpu.vector_load %arg8[%swap3A_75] {strides = array<i32>} : memref<128xi32, #tpu.memory_space<vmem>>, vector<16xi32>,
    tpu.vector_store %arg8[%swap3A_75], %add3A_74 {strides = array<i32>} : memref<128xi32, #tpu.memory_space<vmem>>, vector<16xi32>,
    %swap3A_77 = arith.constant 96 : index
    %swap3A_78 = tpu.vector_load %arg9[%swap3A_77] {strides = array<i32>} : memref<128xi32, #tpu.memory_space<vmem>>, vector<16xi32>,
    tpu.vector_store %arg9[%swap3A_77], %add3A_23 {strides = array<i32>} : memref<128xi32, #tpu.memory_space<vmem>>, vector<16xi32>,
    %add3A_79 = arith.constant 112 : i32
    %add3A_80 = arith.addi %mul3A_2, %add3A_79 : i32
    %add3A_81 = vector.broadcast %add3A_80 : i32 to vector<16xi32>
    %add3A_82 = arith.addi %add3A_81, %iota3A : vector<16xi32>
    %swap3A_83 = arith.constant 112 : index
    %swap3A_84 = tpu.vector_load %arg8[%swap3A_83] {strides = array<i32>} : memref<128xi32, #tpu.memory_space<vmem>>, vector<16xi32>,
    tpu.vector_store %arg8[%swap3A_83], %add3A_82 {strides = array<i32>} : memref<128xi32, #tpu.memory_space<vmem>>, vector<16xi32>,
    %swap3A_85 = arith.constant 112 : index
    %swap3A_86 = tpu.vector_load %arg9[%swap3A_85] {strides = array<i32>} : memref<128xi32, #tpu.memory_space<vmem>>, vector<16xi32>,
    tpu.vector_store %arg9[%swap3A_85], %add3A_23 {strides = array<i32>} : memref<128xi32, #tpu.memory_space<vmem>>, vector<16xi32>,
    %dma_start3A = tpu.memref_slice %arg5[%mul3A_2] : memref<4096xi32, #tpu.memory_space<hbm>> -> memref<128xi32, #tpu.memory_space<hbm>>
    %dma_start3A_87 = tpu.memref_slice %arg5[%mul3A_2] : memref<4096xi32, #tpu.memory_space<hbm>> -> memref<128xi32, #tpu.memory_space<hbm>>
    tpu.enqueue_dma source(%arg9 : memref<128xi32, #tpu.memory_space<vmem>>) target(%dma_start3A_87 : memref<128xi32, #tpu.memory_space<hbm>>) target_semaphore(%arg13 : memref<!tpu.dma_semaphore, #tpu.memory_space<semaphore_mem>>)
    %dma_wait3A = tpu.memref_slice %arg5[%mul3A_2] : memref<4096xi32, #tpu.memory_space<hbm>> -> memref<128xi32, #tpu.memory_space<hbm>>
    %dma_wait3A_88 = tpu.memref_slice %arg5[%mul3A_2] : memref<4096xi32, #tpu.memory_space<hbm>> -> memref<128xi32, #tpu.memory_space<hbm>>
    tpu.wait_dma2 semaphore(%arg13 : memref<!tpu.dma_semaphore, #tpu.memory_space<semaphore_mem>>) src(%arg9 : memref<128xi32, #tpu.memory_space<vmem>>) dst(%dma_wait3A_88 : memref<128xi32, #tpu.memory_space<hbm>>)
    %eq3A = arith.constant 0 : i32
    %eq3A_89 = arith.cmpi eq, %add3A, %eq3A : i32
    %convert_element_type3A = arith.extui %eq3A_89 : i1 to i32
    %cond3A = arith.constant 0 : i32
    %cond3A_90 = arith.cmpi ne, %convert_element_type3A, %cond3A : i32
    scf.if %cond3A_90 {
      %add3A_91 = vector.broadcast %mul3A_2 : i32 to vector<16xi32>
      %add3A_92 = arith.addi %broadcast_in_dim3A_5, %add3A_91 : vector<16xi32>
      %swap3A_93 = arith.constant 0 : index
      %swap3A_94 = tpu.vector_load %arg11[%swap3A_93] {strides = array<i32>} : memref<16xi32, #tpu.memory_space<vmem>>, vector<16xi32>,
      tpu.vector_store %arg11[%swap3A_93], %add3A_92 {strides = array<i32>} : memref<16xi32, #tpu.memory_space<vmem>>, vector<16xi32>,
      "tpu.region"() ({
        %run_scoped3A = tpu.sem_alloc : memref<!tpu.dma_semaphore, #tpu.memory_space<semaphore_mem>>
        tpu.enqueue_dma source(%arg11 : memref<16xi32, #tpu.memory_space<vmem>>) target(%arg6 : memref<16xi32, #tpu.memory_space<hbm>>) target_semaphore(%run_scoped3A : memref<!tpu.dma_semaphore, #tpu.memory_space<semaphore_mem>>)
        tpu.wait_dma2 semaphore(%run_scoped3A : memref<!tpu.dma_semaphore, #tpu.memory_space<semaphore_mem>>) src(%arg11 : memref<16xi32, #tpu.memory_space<vmem>>) dst(%arg6 : memref<16xi32, #tpu.memory_space<hbm>>)
        tpu.yield
      }) : () -> ()
    } else {
    }
    return
  }
}

module attributes {stable_mosaic.version = 14 : i64} {
  func.func @_tc_body(%arg0: i32, %arg1: memref<1xi32, #tpu.memory_space<smem>>, %arg2: memref<2xf32, #tpu.memory_space<smem>>, %arg3: memref<16x1x256xi32, #tpu.memory_space<vmem>>, %arg4: memref<256x256xf32, #tpu.memory_space<vmem>>, %arg5: memref<256x512xbf16, #tpu.memory_space<vmem>>, %arg6: memref<1x512xf32, #tpu.memory_space<vmem>>, %arg7: memref<512x512xbf16, #tpu.memory_space<vmem>>, %arg8: memref<1x512xf32, #tpu.memory_space<vmem>>, %arg9: memref<1x512xf32, #tpu.memory_space<vmem>>, %arg10: memref<256x512xbf16, #tpu.memory_space<vmem>>, %arg11: memref<1x512xf32, #tpu.memory_space<vmem>>, %arg12: memref<512x512xbf16, #tpu.memory_space<vmem>>, %arg13: memref<1x512xf32, #tpu.memory_space<vmem>>, %arg14: memref<1x512xf32, #tpu.memory_space<vmem>>, %arg15: memref<8x1xf32, #tpu.memory_space<vmem>>, %arg16: memref<8x512xf32, #tpu.memory_space<vmem>>, %arg17: memref<8x512xf32, #tpu.memory_space<vmem>>, %arg18: memref<8x128xf32, #tpu.memory_space<vmem>>) attributes {dimension_semantics = [#tpu.dimension_semantics<arbitrary>], iteration_bounds = array<i64: 16>, scalar_prefetch = 0 : i64, scratch_operands = 3 : i64, tpu.core_type = #tpu.core_type<tc>, window_params = [{transform_indices = @transform_0, window_bounds = array<i64: 1>}, {transform_indices = @transform_1, window_bounds = array<i64: 2>}, {pipeline_mode = #tpu.pipeline_mode<synchronous>, transform_indices = @transform_2, window_bounds = array<i64: 16, 1, 256>}, {transform_indices = @transform_3, window_bounds = array<i64: 256, 256>}, {pipeline_mode = #tpu.pipeline_mode<synchronous>, transform_indices = @transform_4, window_bounds = array<i64: 256, 512>}, {pipeline_mode = #tpu.pipeline_mode<synchronous>, transform_indices = @transform_5, window_bounds = array<i64: 1, 512>}, {pipeline_mode = #tpu.pipeline_mode<synchronous>, transform_indices = @transform_6, window_bounds = array<i64: 512, 512>}, {pipeline_mode = #tpu.pipeline_mode<synchronous>, transform_indices = @transform_7, window_bounds = array<i64: 1, 512>}, {pipeline_mode = #tpu.pipeline_mode<synchronous>, transform_indices = @transform_8, window_bounds = array<i64: 1, 512>}, {pipeline_mode = #tpu.pipeline_mode<synchronous>, transform_indices = @transform_9, window_bounds = array<i64: 256, 512>}, {pipeline_mode = #tpu.pipeline_mode<synchronous>, transform_indices = @transform_10, window_bounds = array<i64: 1, 512>}, {pipeline_mode = #tpu.pipeline_mode<synchronous>, transform_indices = @transform_11, window_bounds = array<i64: 512, 512>}, {pipeline_mode = #tpu.pipeline_mode<synchronous>, transform_indices = @transform_12, window_bounds = array<i64: 1, 512>}, {pipeline_mode = #tpu.pipeline_mode<synchronous>, transform_indices = @transform_13, window_bounds = array<i64: 1, 512>}, {pipeline_mode = #tpu.pipeline_mode<synchronous>, transform_indices = @transform_14, window_bounds = array<i64: 8, 1>}]} {
    %eq3A = arith.constant 0 : i32
    %eq3A_0 = arith.cmpi eq, %arg0, %eq3A : i32
    %convert_element_type3A = arith.extui %eq3A_0 : i1 to i32
    %cond3A = arith.constant 0 : i32
    %cond3A_1 = arith.cmpi ne, %convert_element_type3A, %cond3A : i32
    scf.if %cond3A_1 {
      %broadcast_in_dim3A_55 = arith.constant 0.000000e+00 : f32
      %broadcast_in_dim3A_56 = vector.broadcast %broadcast_in_dim3A_55 : f32 to vector<8x512xf32>
      %swap3A_57 = arith.constant 0 : index
      %swap3A_58 = arith.constant 0 : index
      %swap3A_59 = vector.load %arg16[%swap3A_57, %swap3A_58] : memref<8x512xf32, #tpu.memory_space<vmem>>, vector<8x512xf32>
      tpu.vector_store %arg16[%swap3A_57, %swap3A_58], %broadcast_in_dim3A_56 {strides = array<i32>} : memref<8x512xf32, #tpu.memory_space<vmem>>, vector<8x512xf32>,
      %broadcast_in_dim3A_60 = arith.constant 0.000000e+00 : f32
      %broadcast_in_dim3A_61 = vector.broadcast %broadcast_in_dim3A_60 : f32 to vector<8x512xf32>
      %swap3A_62 = arith.constant 0 : index
      %swap3A_63 = arith.constant 0 : index
      %swap3A_64 = vector.load %arg17[%swap3A_62, %swap3A_63] : memref<8x512xf32, #tpu.memory_space<vmem>>, vector<8x512xf32>
      tpu.vector_store %arg17[%swap3A_62, %swap3A_63], %broadcast_in_dim3A_61 {strides = array<i32>} : memref<8x512xf32, #tpu.memory_space<vmem>>, vector<8x512xf32>,
      %broadcast_in_dim3A_65 = arith.constant 0.000000e+00 : f32
      %broadcast_in_dim3A_66 = vector.broadcast %broadcast_in_dim3A_65 : f32 to vector<8x128xf32>
      %swap3A_67 = arith.constant 0 : index
      %swap3A_68 = arith.constant 0 : index
      %swap3A_69 = vector.load %arg18[%swap3A_67, %swap3A_68] : memref<8x128xf32, #tpu.memory_space<vmem>>, vector<8x128xf32>
      tpu.vector_store %arg18[%swap3A_67, %swap3A_68], %broadcast_in_dim3A_66 {strides = array<i32>} : memref<8x128xf32, #tpu.memory_space<vmem>>, vector<8x128xf32>,
    } else {
    }
    %get3A = arith.constant 0 : index
    %get3A_2 = memref.load %arg1[%get3A] : memref<1xi32, #tpu.memory_space<smem>>
    %get3A_3 = arith.constant 0 : index
    %get3A_4 = arith.constant 0 : index
    %get3A_5 = vector.load %arg4[%get3A_3, %get3A_4] : memref<256x256xf32, #tpu.memory_space<vmem>>, vector<256x256xf32>
    %convert_element_type3A_6 = arith.truncf %get3A_5 : vector<256x256xf32> to vector<256x256xbf16>
    %get3A_7 = arith.index_cast %arg0 : i32 to index
    %get3A_8 = arith.constant 0 : index
    %get3A_9 = arith.constant 0 : index
    %get3A_10 = vector.load %arg3[%get3A_7, %get3A_8, %get3A_9] : memref<16x1x256xi32, #tpu.memory_space<vmem>>, vector<1x1x256xi32>
    %get3A_11 = vector.shape_cast %get3A_10 : vector<1x1x256xi32> to vector<256xi32>
    %iota3A = tpu.iota {dimensions = array<i32: 0>} : vector<8x256xi32>
    %iota3A_12 = tpu.iota {dimensions = array<i32: 1>} : vector<8x256xi32>
    %mul3A = arith.constant 256 : i32
    %mul3A_13 = arith.muli %arg0, %mul3A : i32
    %add3A = vector.broadcast %mul3A_13 : i32 to vector<8x256xi32>
    %add3A_14 = arith.addi %iota3A_12, %add3A : vector<8x256xi32>
    %broadcast_in_dim3A = vector.shape_cast %get3A_11 : vector<256xi32> to vector<1x256xi32>
    %eq3A_15 = vector.broadcast %broadcast_in_dim3A : vector<1x256xi32> to vector<8x256xi32>
    %eq3A_16 = arith.cmpi eq, %iota3A, %eq3A_15 : vector<8x256xi32>
    %lt3A = vector.broadcast %get3A_2 : i32 to vector<8x256xi32>
    %lt3A_17 = arith.cmpi slt, %add3A_14, %lt3A : vector<8x256xi32>
    %and3A = arith.andi %eq3A_16, %lt3A_17 : vector<8x256xi1>
    %jit3A = arith.constant 1.000000e+00 : f32
    %jit3A_18 = arith.constant 0.000000e+00 : f32
    %broadcast_in_dim3A_19 = vector.broadcast %jit3A : f32 to vector<8x256xf32>
    %broadcast_in_dim3A_20 = vector.broadcast %jit3A_18 : f32 to vector<8x256xf32>
    %select_n3A = arith.select %and3A, %broadcast_in_dim3A_19, %broadcast_in_dim3A_20 : vector<8x256xi1>, vector<8x256xf32>
    %ge3A = vector.broadcast %get3A_2 : i32 to vector<8x256xi32>
    %ge3A_21 = arith.cmpi sge, %add3A_14, %ge3A : vector<8x256xi32>
    %and3A_22 = arith.andi %eq3A_16, %ge3A_21 : vector<8x256xi1>
    %jit3A_23 = arith.constant 1.000000e+00 : f32
    %jit3A_24 = arith.constant 0.000000e+00 : f32
    %broadcast_in_dim3A_25 = vector.broadcast %jit3A_23 : f32 to vector<8x256xf32>
    %broadcast_in_dim3A_26 = vector.broadcast %jit3A_24 : f32 to vector<8x256xf32>
    %select_n3A_27 = arith.select %and3A_22, %broadcast_in_dim3A_25, %broadcast_in_dim3A_26 : vector<8x256xi1>, vector<8x256xf32>
    %get3A_28 = arith.constant 0 : index
    %get3A_29 = arith.constant 0 : index
    %get3A_30 = vector.load %arg18[%get3A_28, %get3A_29] : memref<8x128xf32, #tpu.memory_space<vmem>>, vector<8x128xf32>
    %reduce_sum3A = arith.constant dense<0.000000e+00> : vector<8xf32>
    %reduce_sum3A_31 = vector.multi_reduction <add>, %select_n3A, %reduce_sum3A [1] : vector<8x256xf32> to vector<8xf32>
    %broadcast_in_dim3A_32 = vector.shape_cast %reduce_sum3A_31 : vector<8xf32> to vector<8x1xf32>
    %add3A_33 = vector.broadcast %broadcast_in_dim3A_32 : vector<8x1xf32> to vector<8x128xf32>
    %add3A_34 = arith.addf %get3A_30, %add3A_33 : vector<8x128xf32>
    %swap3A = arith.constant 0 : index
    %swap3A_35 = arith.constant 0 : index
    %swap3A_36 = vector.load %arg18[%swap3A, %swap3A_35] : memref<8x128xf32, #tpu.memory_space<vmem>>, vector<8x128xf32>
    tpu.vector_store %arg18[%swap3A, %swap3A_35], %add3A_34 {strides = array<i32>} : memref<8x128xf32, #tpu.memory_space<vmem>>, vector<8x128xf32>,
    %mul3A_37 = arith.constant 256 : i32
    %mul3A_38 = arith.muli %arg0, %mul3A_37 : i32
    %lt3A_39 = arith.cmpi slt, %mul3A_38, %get3A_2 : i32
    %convert_element_type3A_40 = arith.extui %lt3A_39 : i1 to i32
    %cond3A_41 = arith.constant 0 : i32
    %cond3A_42 = arith.cmpi ne, %convert_element_type3A_40, %cond3A_41 : i32
    scf.if %cond3A_42 {
      %get3A_55 = arith.constant 0 : index
      %get3A_56 = arith.constant 0 : index
      %get3A_57 = vector.load %arg16[%get3A_55, %get3A_56] : memref<8x512xf32, #tpu.memory_space<vmem>>, vector<8x512xf32>
      %convert_element_type3A_58 = arith.truncf %select_n3A : vector<8x256xf32> to vector<8x256xbf16>
      %get3A_59 = arith.constant 0 : index
      %get3A_60 = arith.constant 0 : index
      %get3A_61 = vector.load %arg5[%get3A_59, %get3A_60] : memref<256x512xbf16, #tpu.memory_space<vmem>>, vector<256x512xbf16>
      %dot_general3A = arith.constant dense<0.000000e+00> : vector<256x512xf32>
      %dot_general3A_62 = tpu.matmul %convert_element_type3A_6, %get3A_61, %dot_general3A {dimension_numbers = #tpu.dot_dimension_numbers<[1], [0], [0], [1], [0, 0, 1, 1], [], []>, transpose_lhs_hint = false} : vector<256x256xbf16>, vector<256x512xbf16>, vector<256x512xf32> -> vector<256x512xf32>
      %get3A_63 = arith.constant 0 : index
      %get3A_64 = arith.constant 0 : index
      %get3A_65 = vector.load %arg6[%get3A_63, %get3A_64] : memref<1x512xf32, #tpu.memory_space<vmem>>, vector<1x512xf32>
      %add3A_66 = vector.broadcast %get3A_65 : vector<1x512xf32> to vector<256x512xf32>
      %add3A_67 = arith.addf %dot_general3A_62, %add3A_66 : vector<256x512xf32>
      %convert_element_type3A_68 = arith.truncf %add3A_67 : vector<256x512xf32> to vector<256x512xbf16>
      %tanh3A = math.tanh %convert_element_type3A_68 : vector<256x512xbf16>
      %get3A_69 = arith.constant 0 : index
      %get3A_70 = arith.constant 0 : index
      %get3A_71 = vector.load %arg7[%get3A_69, %get3A_70] : memref<512x512xbf16, #tpu.memory_space<vmem>>, vector<512x512xbf16>
      %dot_general3A_72 = arith.constant dense<0.000000e+00> : vector<256x512xf32>
      %dot_general3A_73 = tpu.matmul %tanh3A, %get3A_71, %dot_general3A_72 {dimension_numbers = #tpu.dot_dimension_numbers<[1], [0], [0], [1], [0, 0, 1, 1], [], []>, transpose_lhs_hint = false} : vector<256x512xbf16>, vector<512x512xbf16>, vector<256x512xf32> -> vector<256x512xf32>
      %get3A_74 = arith.constant 0 : index
      %get3A_75 = arith.constant 0 : index
      %get3A_76 = vector.load %arg8[%get3A_74, %get3A_75] : memref<1x512xf32, #tpu.memory_space<vmem>>, vector<1x512xf32>
      %add3A_77 = vector.broadcast %get3A_76 : vector<1x512xf32> to vector<256x512xf32>
      %add3A_78 = arith.addf %dot_general3A_73, %add3A_77 : vector<256x512xf32>
      %convert_element_type3A_79 = arith.truncf %add3A_78 : vector<256x512xf32> to vector<256x512xbf16>
      %tanh3A_80 = math.tanh %convert_element_type3A_79 : vector<256x512xbf16>
      %dot_general3A_81 = arith.constant dense<0.000000e+00> : vector<8x512xf32>
      %dot_general3A_82 = tpu.matmul %convert_element_type3A_58, %tanh3A_80, %dot_general3A_81 {dimension_numbers = #tpu.dot_dimension_numbers<[1], [0], [0], [1], [0, 0, 1, 1], [], []>, transpose_lhs_hint = false} : vector<8x256xbf16>, vector<256x512xbf16>, vector<8x512xf32> -> vector<8x512xf32>
      %add3A_83 = arith.addf %get3A_57, %dot_general3A_82 : vector<8x512xf32>
      %swap3A_84 = arith.constant 0 : index
      %swap3A_85 = arith.constant 0 : index
      %swap3A_86 = vector.load %arg16[%swap3A_84, %swap3A_85] : memref<8x512xf32, #tpu.memory_space<vmem>>, vector<8x512xf32>
      tpu.vector_store %arg16[%swap3A_84, %swap3A_85], %add3A_83 {strides = array<i32>} : memref<8x512xf32, #tpu.memory_space<vmem>>, vector<8x512xf32>,
    } else {
    }
    %mul3A_43 = arith.constant 256 : i32
    %mul3A_44 = arith.muli %arg0, %mul3A_43 : i32
    %add3A_45 = arith.constant 256 : i32
    %add3A_46 = arith.addi %mul3A_44, %add3A_45 : i32
    %gt3A = arith.cmpi sgt, %add3A_46, %get3A_2 : i32
    %convert_element_type3A_47 = arith.extui %gt3A : i1 to i32
    %cond3A_48 = arith.constant 0 : i32
    %cond3A_49 = arith.cmpi ne, %convert_element_type3A_47, %cond3A_48 : i32
    scf.if %cond3A_49 {
      %get3A_55 = arith.constant 0 : index
      %get3A_56 = arith.constant 0 : index
      %get3A_57 = vector.load %arg17[%get3A_55, %get3A_56] : memref<8x512xf32, #tpu.memory_space<vmem>>, vector<8x512xf32>
      %convert_element_type3A_58 = arith.truncf %select_n3A_27 : vector<8x256xf32> to vector<8x256xbf16>
      %get3A_59 = arith.constant 0 : index
      %get3A_60 = arith.constant 0 : index
      %get3A_61 = vector.load %arg10[%get3A_59, %get3A_60] : memref<256x512xbf16, #tpu.memory_space<vmem>>, vector<256x512xbf16>
      %dot_general3A = arith.constant dense<0.000000e+00> : vector<256x512xf32>
      %dot_general3A_62 = tpu.matmul %convert_element_type3A_6, %get3A_61, %dot_general3A {dimension_numbers = #tpu.dot_dimension_numbers<[1], [0], [0], [1], [0, 0, 1, 1], [], []>, transpose_lhs_hint = false} : vector<256x256xbf16>, vector<256x512xbf16>, vector<256x512xf32> -> vector<256x512xf32>
      %get3A_63 = arith.constant 0 : index
      %get3A_64 = arith.constant 0 : index
      %get3A_65 = vector.load %arg11[%get3A_63, %get3A_64] : memref<1x512xf32, #tpu.memory_space<vmem>>, vector<1x512xf32>
      %add3A_66 = vector.broadcast %get3A_65 : vector<1x512xf32> to vector<256x512xf32>
      %add3A_67 = arith.addf %dot_general3A_62, %add3A_66 : vector<256x512xf32>
      %convert_element_type3A_68 = arith.truncf %add3A_67 : vector<256x512xf32> to vector<256x512xbf16>
      %tanh3A = math.tanh %convert_element_type3A_68 : vector<256x512xbf16>
      %get3A_69 = arith.constant 0 : index
      %get3A_70 = arith.constant 0 : index
      %get3A_71 = vector.load %arg12[%get3A_69, %get3A_70] : memref<512x512xbf16, #tpu.memory_space<vmem>>, vector<512x512xbf16>
      %dot_general3A_72 = arith.constant dense<0.000000e+00> : vector<256x512xf32>
      %dot_general3A_73 = tpu.matmul %tanh3A, %get3A_71, %dot_general3A_72 {dimension_numbers = #tpu.dot_dimension_numbers<[1], [0], [0], [1], [0, 0, 1, 1], [], []>, transpose_lhs_hint = false} : vector<256x512xbf16>, vector<512x512xbf16>, vector<256x512xf32> -> vector<256x512xf32>
      %get3A_74 = arith.constant 0 : index
      %get3A_75 = arith.constant 0 : index
      %get3A_76 = vector.load %arg13[%get3A_74, %get3A_75] : memref<1x512xf32, #tpu.memory_space<vmem>>, vector<1x512xf32>
      %add3A_77 = vector.broadcast %get3A_76 : vector<1x512xf32> to vector<256x512xf32>
      %add3A_78 = arith.addf %dot_general3A_73, %add3A_77 : vector<256x512xf32>
      %convert_element_type3A_79 = arith.truncf %add3A_78 : vector<256x512xf32> to vector<256x512xbf16>
      %tanh3A_80 = math.tanh %convert_element_type3A_79 : vector<256x512xbf16>
      %dot_general3A_81 = arith.constant dense<0.000000e+00> : vector<8x512xf32>
      %dot_general3A_82 = tpu.matmul %convert_element_type3A_58, %tanh3A_80, %dot_general3A_81 {dimension_numbers = #tpu.dot_dimension_numbers<[1], [0], [0], [1], [0, 0, 1, 1], [], []>, transpose_lhs_hint = false} : vector<8x256xbf16>, vector<256x512xbf16>, vector<8x512xf32> -> vector<8x512xf32>
      %add3A_83 = arith.addf %get3A_57, %dot_general3A_82 : vector<8x512xf32>
      %swap3A_84 = arith.constant 0 : index
      %swap3A_85 = arith.constant 0 : index
      %swap3A_86 = vector.load %arg17[%swap3A_84, %swap3A_85] : memref<8x512xf32, #tpu.memory_space<vmem>>, vector<8x512xf32>
      tpu.vector_store %arg17[%swap3A_84, %swap3A_85], %add3A_83 {strides = array<i32>} : memref<8x512xf32, #tpu.memory_space<vmem>>, vector<8x512xf32>,
    } else {
    }
    %eq3A_50 = arith.constant 15 : i32
    %eq3A_51 = arith.cmpi eq, %arg0, %eq3A_50 : i32
    %convert_element_type3A_52 = arith.extui %eq3A_51 : i1 to i32
    %cond3A_53 = arith.constant 0 : i32
    %cond3A_54 = arith.cmpi ne, %convert_element_type3A_52, %cond3A_53 : i32
    scf.if %cond3A_54 {
      %get3A_55 = arith.constant 0 : index
      %get3A_56 = arith.constant 0 : index
      %get3A_57 = vector.load %arg16[%get3A_55, %get3A_56] : memref<8x512xf32, #tpu.memory_space<vmem>>, vector<8x512xf32>
      %get3A_58 = arith.constant 0 : index
      %get3A_59 = arith.constant 0 : index
      %get3A_60 = vector.load %arg9[%get3A_58, %get3A_59] : memref<1x512xf32, #tpu.memory_space<vmem>>, vector<1x512xf32>
      %mul3A_61 = vector.broadcast %get3A_60 : vector<1x512xf32> to vector<8x512xf32>
      %mul3A_62 = arith.mulf %get3A_57, %mul3A_61 : vector<8x512xf32>
      %reduce_sum3A_63 = arith.constant dense<0.000000e+00> : vector<8xf32>
      %reduce_sum3A_64 = vector.multi_reduction <add>, %mul3A_62, %reduce_sum3A_63 [1] : vector<8x512xf32> to vector<8xf32>
      %broadcast_in_dim3A_65 = vector.shape_cast %reduce_sum3A_64 : vector<8xf32> to vector<8x1xf32>
      %get3A_66 = arith.constant 0 : index
      %get3A_67 = arith.constant 0 : index
      %get3A_68 = vector.load %arg17[%get3A_66, %get3A_67] : memref<8x512xf32, #tpu.memory_space<vmem>>, vector<8x512xf32>
      %get3A_69 = arith.constant 0 : index
      %get3A_70 = arith.constant 0 : index
      %get3A_71 = vector.load %arg14[%get3A_69, %get3A_70] : memref<1x512xf32, #tpu.memory_space<vmem>>, vector<1x512xf32>
      %mul3A_72 = vector.broadcast %get3A_71 : vector<1x512xf32> to vector<8x512xf32>
      %mul3A_73 = arith.mulf %get3A_68, %mul3A_72 : vector<8x512xf32>
      %reduce_sum3A_74 = arith.constant dense<0.000000e+00> : vector<8xf32>
      %reduce_sum3A_75 = vector.multi_reduction <add>, %mul3A_73, %reduce_sum3A_74 [1] : vector<8x512xf32> to vector<8xf32>
      %broadcast_in_dim3A_76 = vector.shape_cast %reduce_sum3A_75 : vector<8xf32> to vector<8x1xf32>
      %get3A_77 = arith.constant 0 : index
      %get3A_78 = arith.constant 0 : index
      %get3A_79 = vector.load %arg18[%get3A_77, %get3A_78] : memref<8x128xf32, #tpu.memory_space<vmem>>, vector<8x1xf32>
      %get3A_80 = arith.constant 0 : index
      %get3A_81 = memref.load %arg2[%get3A_80] : memref<2xf32, #tpu.memory_space<smem>>
      %mul3A_82 = vector.broadcast %get3A_81 : f32 to vector<8x1xf32>
      %mul3A_83 = arith.mulf %mul3A_82, %get3A_79 : vector<8x1xf32>
      %get3A_84 = arith.constant 1 : index
      %get3A_85 = memref.load %arg2[%get3A_84] : memref<2xf32, #tpu.memory_space<smem>>
      %sub3A = arith.constant 5.120000e+02 : f32
      %sub3A_86 = vector.broadcast %sub3A : f32 to vector<8x1xf32>
      %sub3A_87 = arith.subf %sub3A_86, %get3A_79 : vector<8x1xf32>
      %mul3A_88 = vector.broadcast %get3A_85 : f32 to vector<8x1xf32>
      %mul3A_89 = arith.mulf %mul3A_88, %sub3A_87 : vector<8x1xf32>
      %add3A_90 = arith.addf %mul3A_83, %mul3A_89 : vector<8x1xf32>
      %add3A_91 = arith.addf %broadcast_in_dim3A_65, %broadcast_in_dim3A_76 : vector<8x1xf32>
      %add3A_92 = arith.addf %add3A_91, %add3A_90 : vector<8x1xf32>
      %mul3A_93 = arith.constant 0.001953125 : f32
      %mul3A_94 = vector.broadcast %mul3A_93 : f32 to vector<8x1xf32>
      %mul3A_95 = arith.mulf %add3A_92, %mul3A_94 : vector<8x1xf32>
      %swap3A_96 = arith.constant 0 : index
      %swap3A_97 = arith.constant 0 : index
      %swap3A_98 = vector.load %arg15[%swap3A_96, %swap3A_97] : memref<8x1xf32, #tpu.memory_space<vmem>>, vector<8x1xf32>
      tpu.vector_store %arg15[%swap3A_96, %swap3A_97], %mul3A_95 {strides = array<i32>} : memref<8x1xf32, #tpu.memory_space<vmem>>, vector<8x1xf32>,
    } else {
    }
    return
  }
  func.func @transform_0(%arg0: i32) -> i32 {
    %c0_i32 = arith.constant 0 : i32
    %c0_i32_0 = arith.constant 0 : i32
    return %c0_i32 : i32
  }
  func.func @transform_1(%arg0: i32) -> i32 {
    %c0_i32 = arith.constant 0 : i32
    %c0_i32_0 = arith.constant 0 : i32
    return %c0_i32 : i32
  }
  func.func @transform_2(%arg0: i32) -> (i32, i32, i32) {
    %c0_i32 = arith.constant 0 : i32
    %c0_i32_0 = arith.constant 0 : i32
    %c0_i32_1 = arith.constant 0 : i32
    %c0_i32_2 = arith.constant 0 : i32
    return %c0_i32, %c0_i32_0, %c0_i32_1 : i32, i32, i32
  }
  func.func @transform_3(%arg0: i32) -> (i32, i32) {
    %c0_i32 = arith.constant 0 : i32
    %c0_i32_0 = arith.constant 0 : i32
    return %arg0, %c0_i32 : i32, i32
  }
  func.func @transform_4(%arg0: i32) -> (i32, i32) {
    %c0_i32 = arith.constant 0 : i32
    %c0_i32_0 = arith.constant 0 : i32
    %c0_i32_1 = arith.constant 0 : i32
    return %c0_i32, %c0_i32_0 : i32, i32
  }
  func.func @transform_5(%arg0: i32) -> (i32, i32) {
    %c0_i32 = arith.constant 0 : i32
    %c0_i32_0 = arith.constant 0 : i32
    %c0_i32_1 = arith.constant 0 : i32
    return %c0_i32, %c0_i32_0 : i32, i32
  }
  func.func @transform_6(%arg0: i32) -> (i32, i32) {
    %c0_i32 = arith.constant 0 : i32
    %c0_i32_0 = arith.constant 0 : i32
    %c0_i32_1 = arith.constant 0 : i32
    return %c0_i32, %c0_i32_0 : i32, i32
  }
  func.func @transform_7(%arg0: i32) -> (i32, i32) {
    %c0_i32 = arith.constant 0 : i32
    %c0_i32_0 = arith.constant 0 : i32
    %c0_i32_1 = arith.constant 0 : i32
    return %c0_i32, %c0_i32_0 : i32, i32
  }
  func.func @transform_8(%arg0: i32) -> (i32, i32) {
    %c0_i32 = arith.constant 0 : i32
    %c0_i32_0 = arith.constant 0 : i32
    %c0_i32_1 = arith.constant 0 : i32
    return %c0_i32, %c0_i32_0 : i32, i32
  }
  func.func @transform_9(%arg0: i32) -> (i32, i32) {
    %c0_i32 = arith.constant 0 : i32
    %c0_i32_0 = arith.constant 0 : i32
    %c0_i32_1 = arith.constant 0 : i32
    return %c0_i32, %c0_i32_0 : i32, i32
  }
  func.func @transform_10(%arg0: i32) -> (i32, i32) {
    %c0_i32 = arith.constant 0 : i32
    %c0_i32_0 = arith.constant 0 : i32
    %c0_i32_1 = arith.constant 0 : i32
    return %c0_i32, %c0_i32_0 : i32, i32
  }
  func.func @transform_11(%arg0: i32) -> (i32, i32) {
    %c0_i32 = arith.constant 0 : i32
    %c0_i32_0 = arith.constant 0 : i32
    %c0_i32_1 = arith.constant 0 : i32
    return %c0_i32, %c0_i32_0 : i32, i32
  }
  func.func @transform_12(%arg0: i32) -> (i32, i32) {
    %c0_i32 = arith.constant 0 : i32
    %c0_i32_0 = arith.constant 0 : i32
    %c0_i32_1 = arith.constant 0 : i32
    return %c0_i32, %c0_i32_0 : i32, i32
  }
  func.func @transform_13(%arg0: i32) -> (i32, i32) {
    %c0_i32 = arith.constant 0 : i32
    %c0_i32_0 = arith.constant 0 : i32
    %c0_i32_1 = arith.constant 0 : i32
    return %c0_i32, %c0_i32_0 : i32, i32
  }
  func.func @transform_14(%arg0: i32) -> (i32, i32) {
    %c0_i32 = arith.constant 0 : i32
    %c0_i32_0 = arith.constant 0 : i32
    %c0_i32_1 = arith.constant 0 : i32
    return %c0_i32, %c0_i32_0 : i32, i32
  }
}

</mosaic_0001>

<sc_bundles>
// kernel: kernel.4.cloned.1.call-start
scs
__scs_entry_jumppad:
0x0: {  	(pc) =	sbr.rel $0x88, $3  }
0x1: {  	(tag) =	ssettag $0x0;
	lr =	simm.s32 $0x1  }
0x2: {  	[smem:$0x3F91] =	sst lr;
	_ =	strace $0xD0000000  }
0x3: {  	_ = 	snop  }
0x4: {  	_ = 	snop  }
0x5: {  	_ = 	snop  }
0x6: {  	_ = 	snop  }
0x7: {  	_ = 	snop  }
__scs_overlays_trampoline_lowered:
0x8: {  	[smem:$0x3FA0] =	sst s0  }
0x9: {  	[smem:$0x3FA1] =	sst s1  }
0xa: {  	[smem:$0x3FA2] =	sst s2  }
0xb: {  	[smem:$0x3FA3] =	sst s3  }
0xc: {  	[smem:$0x3FA4] =	sst s4  }
0xd: {  	[smem:$0x3FA5] =	sst s5  }
0xe: {  	[smem:$0x3FA6] =	sst s6  }
0xf: {  	[smem:$0x3FA7] =	sst s7  }
0x10: {  	[smem:$0x3FA8] =	sst s8  }
0x11: {  	[smem:$0x3FA9] =	sst s9;
	s0 =	simm.s32 @!p0 $0x0  }
0x12: {  	s1 =	sld [smem:$0x3F8F];
	s0 =	simm.s32 @p0 $0x1  }
0x13: {  	[smem:$0x3FAA] =	sst s0;
	s0 =	simm.s32 @!p1 $0x0  }
0x14: {  	s2 =	sld [smem:$0x3F8E];
	s0 =	simm.s32 @p1 $0x1  }
0x15: {  	[smem:$0x3FAB] =	sst s0;
	s0 =	simm.s32 @!p2 $0x0  }
0x16: {  	s3 =	sld [smem:$0x3FDB];
	s0 =	simm.s32 @p2 $0x1  }
0x17: {  	s4 =	simm.s32 $0x1BF5;
	[smem:$0x3FAD] =	sst s0  }
0x18: {  	s0 =	sld [smem:$0x3F90];
	_ =	swait.ge [sflag:s4], $0x0  }
0x19: {  	s7 =	sld [smem:$0x3F91]  }
0x1a: {  	s8 =	sadd.s32 $0xFFFFE003, lr  }
0x1b: {  	s9 =	sadd.s32 $0xFFFFFEF7, lr;
	s5 =	simm.s32 $0xFFFFFFFF;
	p2 =	slt.u32 s8, $0xFFFFF086  }
0x1c: {  	p1 =	slt.u32 s9, $0xF7A;
	s5 =	simm.s32 @!p2 $0x0  }
0x1d: {  	s5 =	simm.s32 @p1 $0x1;
	p0 =	seq.s32 s7, s2  }
0x1e: {  	s7 =	smul.u32 @!p0 $0xF7A, s2;
	p2 =	seq.s32 @!p0 s5, $0x0  }
0x1f: {  	s9 =	smul.u32 $0xF7A, s1;
	s8 =	simm.s32 @!p0 $0x1BF5;
	p2 =	por !p2, p0  }
0x20: {  	[sflag:s8] =	ssyncset.s32 @!p0 $0xFFFFF086;
	s6 =	sadd.s32 @!p0 s3, s7;
	s7 =	simm.s32 @!p0 $0x108  }
0x21: {  	s3 =	sadd.s32 s3, s9;
	s6 =	sadd.s32 @!p0 $0x88, s6;
	s7 =	simm.s32 @p2 $0x1082  }
0x22: {  	[simem:s7], [sflag:s8] =	dma.local @!p0 [hbm:s6], $0xF7A  }
0x23: {  	s9 =	sor.u32 $0xD0000000, s2;
	s6 =	simm.s32 $0x108;
	_ =	swait.ge @!p0 [sflag:s8], $0x0  }
0x24: {  	s3 =	sadd.s32 $0x88, s3;
	s6 =	simm.s32 @!p1 $0x1082;
	[sflag:s4] =	ssyncset.s32 $0xFFFFF086  }
0x25: {  	[simem:s6], [sflag:s4] =	dma.local [hbm:s3], $0xF7A  }
0x26: {  	[smem:$0x3F91] =	sst s1;
	(tag) =	ssettag s2;
	_ =	strace s9  }
0x27: {  	s1 =	sld [smem:$0x3FA1]  }
0x28: {  	s2 =	sld [smem:$0x3FA2]  }
0x29: {  	s4 =	sld [smem:$0x3FA4]  }
0x2a: {  	p0 =	seq.s32 s5, $0x0;
	s5 =	sld [smem:$0x3FA5]  }
0x2b: {  	s6 =	sld [smem:$0x3FA6]  }
0x2c: {  	s7 =	sld [smem:$0x3FA7]  }
0x2d: {  	s3 =	simm.s32 $0x108;
	s8 =	sld [smem:$0x3FA8]  }
0x2e: {  	s3 =	simm.s32 @!p0 $0x1082;
	s9 =	sld [smem:$0x3FA9]  }
0x2f: {  	lr =	sadd.s32 s0, s3;
	s0 =	sld [smem:$0x3FA0]  }
0x30: {  	s3 =	sld [smem:$0x3FA3]  }
0x31: {  	[smem:$0x3FAC] =	sst s10  }
0x32: {  	s10 =	sld [smem:$0x3FAA];
	_ =	sdelay $0x3  }
0x33: {  	p0 =	seq.s32 s10, $0x1;
	s10 =	sld [smem:$0x3FAC];
	_ =	sdelay $0x3  }
0x34: {  	[smem:$0x3FAC] =	sst s10  }
0x35: {  	s10 =	sld [smem:$0x3FAB];
	_ =	sdelay $0x3  }
0x36: {  	p1 =	seq.s32 s10, $0x1;
	s10 =	sld [smem:$0x3FAC];
	_ =	sdelay $0x3  }
0x37: {  	[smem:$0x3FAC] =	sst s10  }
0x38: {  	s10 =	sld [smem:$0x3FAD]  }
0x39: {  	_ = 	snop;
	(pc) =	sbr.ind lr, $3  }
0x3a: {  	_ = 	snop  }
0x3b: {  	_ = 	snop  }
0x3c: {  	p2 =	seq.s32 s10, $0x1;
	s10 =	sld [smem:$0x3FAC]  }
0x3d: {  	_ =	shalt  }
0x3e: {  	_ =	shalt  }
0x3f: {  	_ =	shalt  }
0x40: {  	_ =	shalt  }
0x41: {  	_ =	shalt  }
0x42: {  	_ =	shalt  }
0x43: {  	_ =	shalt  }
0x44: {  	_ =	shalt  }
0x45: {  	_ =	shalt  }
0x46: {  	_ =	shalt  }
0x47: {  	_ =	shalt  }
0x48: {  	_ =	shalt  }
0x49: {  	_ =	shalt  }
0x4a: {  	_ =	shalt  }
0x4b: {  	_ =	shalt  }
0x4c: {  	_ =	shalt  }
0x4d: {  	_ =	shalt  }
0x4e: {  	_ =	shalt  }
0x4f: {  	_ =	shalt  }
0x50: {  	_ =	shalt  }
0x51: {  	_ =	shalt  }
0x52: {  	_ =	shalt  }
0x53: {  	_ =	shalt  }
0x54: {  	_ =	shalt  }
0x55: {  	_ =	shalt  }
0x56: {  	_ =	shalt  }
0x57: {  	_ =	shalt  }
0x58: {  	_ =	shalt  }
0x59: {  	_ =	shalt  }
0x5a: {  	_ =	shalt  }
0x5b: {  	_ =	shalt  }
0x5c: {  	_ =	shalt  }
0x5d: {  	_ =	shalt  }
0x5e: {  	_ =	shalt  }
0x5f: {  	_ =	shalt  }
0x60: {  	_ =	shalt  }
0x61: {  	_ =	shalt  }
0x62: {  	_ =	shalt  }
0x63: {  	_ =	shalt  }
0x64: {  	_ =	shalt  }
0x65: {  	_ =	shalt  }
0x66: {  	_ =	shalt  }
0x67: {  	_ =	shalt  }
0x68: {  	_ =	shalt  }
0x69: {  	_ =	shalt  }
0x6a: {  	_ =	shalt  }
0x6b: {  	_ =	shalt  }
0x6c: {  	_ =	shalt  }
0x6d: {  	_ =	shalt  }
0x6e: {  	_ =	shalt  }
0x6f: {  	_ =	shalt  }
0x70: {  	_ =	shalt  }
0x71: {  	_ =	shalt  }
0x72: {  	_ =	shalt  }
0x73: {  	_ =	shalt  }
0x74: {  	_ =	shalt  }
0x75: {  	_ =	shalt  }
0x76: {  	_ =	shalt  }
0x77: {  	_ =	shalt  }
0x78: {  	_ =	shalt  }
0x79: {  	_ =	shalt  }
0x7a: {  	_ =	shalt  }
0x7b: {  	_ =	shalt  }
0x7c: {  	_ =	shalt  }
0x7d: {  	_ =	shalt  }
0x7e: {  	_ =	shalt  }
0x7f: {  	_ =	shalt  }
0x80: {  	_ =	shalt  }
0x81: {  	_ =	shalt  }
0x82: {  	_ =	shalt  }
0x83: {  	_ =	shalt  }
0x84: {  	_ =	shalt  }
0x85: {  	_ =	shalt  }
0x86: {  	_ =	shalt  }
0x87: {  	_ =	shalt  }
.Lfunc_end0:
.L_simem_size_0:
called_computation_lowered:
.L_overlay_start_0:
0x88: {  	s2 =	sld [smem:$0x3FD9]  }
0x89: {  	s3 =	sld [smem:$0x3FFE];
	_ =	sdelay $0x1  }
0x8a: {  	s1 =	srdreg.scid  }
0x8b: {  	s0 =	sand.u32 $0x1, s1  }
0x8c: {  	s16 =	sshll.u32 s0, $0xA;
	s2 =	sadd.s32 s3, s2  }
0x8d: {  	s2 =	sadd.s32 s2, s16  }
0x8e: {  	[smem:$0x3FB8] =	sst s2  }
0x8f: {  	_ = 	snop  }
0x90: {  	(tm) =	ssettm $0x1  }
0x91: {  	s17 =	sld [smem:$0x3FFB];
	_ =	sdelay $0x3  }
0x92: {  	_ =	strace s17  }
0x93: {  	s2 =	sld [smem:$0x3FFC];
	_ =	sdelay $0x3  }
0x94: {  	_ =	strace s2  }
0x95: {  	s2 =	sld [smem:$0x3FFD];
	_ =	sdelay $0x3  }
0x96: {  	_ =	strace s2  }
0x97: {  	_ =	strace $0x8FFFFFFF  }
0x98: {  	s18 =	sld [smem:$0x3FDB];
	_ =	sdelay $0x1  }
0x99: {  	s19 =	simm.s32 $_scs_section_size  }
0x9a: {  	s4 =	simm.s32 $_size__tile_overlayer_lowered;
	s5 =	simm.s32 $_tile_overlayer_lowered  }
0x9b: {  	s22 =	simm.s32 $0x1BFF;
	s21 =	sshll.u32 s5, $0x1;
	s2 =	sadd.s32 s19, s18  }
0x9c: {  	s6 =	simm.s32 $0x0;
	s20 =	sshll.u32 s4, $0x1;
	s4 =	sadd.s32 s21, s2  }
0x9d: {  	[timem:s6], [sflag:s22] =	dma.local [hbm:s4], s20  }
0x9e: {  	_ =	swait.ge [sflag:s22], s20  }
0x9f: {  	s3 =	ssub.s32 $0x0, s20;
	[sflag:s22] =	ssyncset.done $0x0  }
0xa0: {  	[sflag:s22] =	ssyncadd.s32 s3;
	_ =	sdelay $0x1  }
0xa1: {  	s23 =	simm.s32 $0x1B8B  }
0xa2: {  	_ =	swait.ge [sflag:s23], $0x1  }
0xa3: {  	[sflag:s23] =	ssyncset.done $0x0  }
0xa4: {  	s25 =	simm.s32 $0x1B8E;
	s24 =	sld [smem:$0x3FFE];
	[sflag:s23] =	ssyncadd.s32 $0xFFFFFFFF  }
0xa5: {  	s26 =	simm.s32 $execute0_lowered;
	[smem:$0x3FD2] =	sst s25  }
0xa6: {  	s4 =	sshll.u32 s26, $0x1;
	_ =	strace $0x80000046;
	[dreg:$0x1] =	wrdreg $0xFFFFFFFF  }
0xa7: {  	s28 =	simm.s32 $_size_execute0_lowered;
	s2 =	sadd.s32 s2, s4;
	[dreg:$0x0] =	wrdreg $0x0  }
0xa8: {  	s4 =	sshll.u32 s28, $0x1;
	[dreg:$0x2] =	wrdreg s2  }
0xa9: {  	[dreg:$0x3] =	wrdreg s4  }
0xaa: {  	[dreg:$0x4] =	wrdreg $0xC0  }
0xab: {  	_ =	task [dreg:s6], $0x5FFFF  }
0xac: {  	[dreg:$0x1] =	wrdreg $0xFFFFFFFF  }
0xad: {  	[dreg:$0x0] =	wrdreg $0x60  }
0xae: {  	[dreg:$0x2] =	wrdreg s24  }
0xaf: {  	[dreg:$0x3] =	wrdreg $0x9  }
0xb0: {  	_ =	task.clear_ibuf [dreg:s6], $0x4FFFF;
	_ =	strace $0x90000046  }
0xb1: {  	s29 =	simm.s32 $0x9;
	_ =	strace $0x80000048  }
0xb2: {  	_ =	swait.ge [sflag:s29], $0x1  }
0xb3: {  	[sflag:s29] =	ssyncadd.s32 $0xFFFFFFFF  }
0xb4: {  	_ =	strace $0x90000048  }
0xb5: {  	_ =	sfence  }
0xb6: {  	s30 =	sld [smem:$0x0];
	_ =	sdelay $0x2  }
0xb7: {  	s31 =	sshll.u32 s1, $0xD;
	s1 =	sshrl.u32 s1, $0x2  }
0xb8: {  	s3 =	sand.u32 $0x4000, s31;
	s1 =	sadd.s32 s1, s30  }
0xb9: {  	s0 =	sor.u32 s3, s0;
	s1 =	sshll.u32 s1, $0x11  }
0xba: {  	s0 =	sor.u32 s1, s0  }
0xbb: {  	s0 =	sadd.s32 $0x8F2B, s0  }
0xbc: {  	[sflag:s0] =	ssyncadd.remote.s32 $0x1  }
0xbd: {  	_ =	sfence.sel $0xFFFF  }
0xbe: {  	[dreg:$0x0] =	wrdreg $0xFFFFFFFF;
	(pc) =	sbr.abs _section_cstart, $3  }
0xbf: {  	[dreg:$0x1] =	wrdreg $0xFFFFFFFF  }
0xc0: {  	_ =	task.clear_ibuf [dreg:s6], $0x2FFFF;
	_ =	strace $0x9FFFFFFF  }
0xc1: {  	(tm) =	ssettm $0x7FFFFFFF  }
tec
execute0_lowered:
.L_overlay_start_1:
0x0: {  	(tag) =	ssettag $0x1  }
0x1: {  	s0 =	stileid.u32  }
0x2: {  	s6 =	rddreg [dreg:$0x0];
	s2 =	simm.s32 $0x0;
	s5 =	sshrl.u32 s0, $0x1  }
0x3: {  	s1 =	srdreg.scid;
	[smem:$0x7FF] =	sst s2;
	v1 =	vmov s5  }
0x4: {  	s3 =	sand.u32 $0x1, s1;
	s1 =	rddreg [dreg:$0x1];
	_ =	strace $0x80000047;
	[tilespmem:$0x90] =	vst v1  }
0x5: {  	[tilespmem:$0xA0] =	vst v1  }
0x6: {  	[tilespmem:$0xB0] =	vst v1  }
0x7: {  	[tilespmem:$0xF0] =	vst v1  }
0x8: {  	s22 =	sshll.u32 s0, $0x1;
	[tilespmem:$0xE0] =	vst v1  }
0x9: {  	s7 =	sor.u32 s3, s22;
	[tilespmem:$0xD0] =	vst v1  }
0xa: {  	v8 =	vlaneseq.u32;
	s8 =	sshll.u32 s7, $0x7;
	[tilespmem:$0xC0] =	vst v1  }
0xb: {  	[tilespmem:$0x80] =	vst v1;
	s4 =	sor.u32 $0x10, s8;
	v5 =	vor.u32 s8, v8  }
0xc: {  	s23 =	sor.u32 $0x20, s8;
	v0 =	vor.u32 s4, v8;
	[tilespmem:$0x0] =	vst v5  }
0xd: {  	s24 =	sor.u32 $0x30, s8;
	v2 =	vor.u32 s23, v8;
	[tilespmem:$0x10] =	vst v0  }
0xe: {  	s25 =	sor.u32 $0x40, s8;
	v3 =	vor.u32 s24, v8;
	[tilespmem:$0x20] =	vst v2  }
0xf: {  	s26 =	sor.u32 $0x70, s8;
	v4 =	vor.u32 s25, v8;
	[tilespmem:$0x30] =	vst v3  }
0x10: {  	s9 =	ssub.s32 $0x2, s3;
	s28 =	sor.u32 $0x60, s8;
	v6 =	vor.u32 s26, v8;
	[tilespmem:$0x40] =	vst v4  }
0x11: {  	s30 =	sshll.u32 s7, $0x4;
	s10 =	sshrl.u32 s9, $0x1;
	s29 =	sor.u32 $0x50, s8;
	v7 =	vor.u32 s28, v8;
	[tilespmem:$0x70] =	vst v6  }
0x12: {  	s5 =	simm.s32 $0x1;
	s31 =	sadd.s32 s30, s6;
	s9 =	ssub.s32 s9, s10;
	v8 =	vor.u32 s29, v8;
	[tilespmem:$0x60] =	vst v7  }
0x13: {  	s3 =	sadd.s32 $0x22400, s31;
	s4 =	simm.s32 $0x80;
	s9 =	smax.u32 s9, $0x1;
	[tilespmem:$0x50] =	vst v8  }
0x14: {  	[hbm4b:s3+s2] =	stream.linear.scatter [tilespmem:s4], [sflag:$0x1], $0x80, $0x38;
	[tilespmem:$0x180] =	vst v63  }
0x15: {  	p0 =	sne.s32 s7, $0x0;
	s7 =	sadd.s32 $0xFFFFFFFF, s9;
	_ =	swait.ge [sflag:s5], $0x80  }
0x16: {  	p1 =	sne.s32 s7, $0x0;
	[sflag:s5] =	ssyncset.done $0x0  }
.Ltmp0:
0x17: {  	s6 =	sadd.s32 $0x22600, s6;
	v9 =	vmov s8;
	[sflag:s5] =	ssyncadd.s32 $0xFFFFFF80;
	(pc) =	sbr.rel @!p1 .LBB2_2-.Ltmp0, $4  }
0x18: {  	s10 =	simm.s32 @!p0 $0x100;
	s8 =	simm.s32 @!p0 $0x2;
	s9 =	simm.s32 @!p0 $0x0;
	[tilespmem:$0x100] =	vst @!p0 v9  }
0x19: {  	[hbm4b:s6+s9] =	stream.linear.scatter @!p0 [tilespmem:s10], [sflag:$0x2], $0x80, $0x38;
	[tilespmem:$0x180] =	vst v63  }
0x1a: {  	_ =	swait.ge @!p0 [sflag:s8], $0x80  }
0x1b: {  	[sflag:s8] =	ssyncset.done @!p0 $0x0  }
.LBB2_1:
0x1c: {  	s7 =	sadd.s32 $0xFFFFFFFF, s7;
	[sflag:s8] =	ssyncadd.s32 @!p0 $0xFFFFFF80  }
0x1d: {  	[tilespmem:$0x10] =	vst v0;
	p1 =	sne.s32 s7, $0x0  }
0x1e: {  	[tilespmem:$0x90] =	vst v1  }
0x1f: {  	[tilespmem:$0x20] =	vst v2  }
0x20: {  	[tilespmem:$0xA0] =	vst v1  }
0x21: {  	[tilespmem:$0x30] =	vst v3  }
0x22: {  	[tilespmem:$0xB0] =	vst v1  }
0x23: {  	[tilespmem:$0x40] =	vst v4  }
0x24: {  	[tilespmem:$0x0] =	vst v5  }
0x25: {  	[tilespmem:$0x70] =	vst v6  }
0x26: {  	[tilespmem:$0xF0] =	vst v1  }
0x27: {  	[tilespmem:$0xE0] =	vst v1  }
0x28: {  	[tilespmem:$0x60] =	vst v7  }
0x29: {  	[tilespmem:$0xD0] =	vst v1  }
0x2a: {  	[tilespmem:$0x50] =	vst v8  }
0x2b: {  	[tilespmem:$0xC0] =	vst v1  }
0x2c: {  	[tilespmem:$0x80] =	vst v1  }
0x2d: {  	[hbm4b:s3+s2] =	stream.linear.scatter [tilespmem:s4], [sflag:$0x1], $0x80, $0x38;
	[tilespmem:$0x180] =	vst v63  }
0x2e: {  	_ =	swait.ge [sflag:s5], $0x80  }
0x2f: {  	[sflag:s5] =	ssyncset.done $0x0  }
.Ltmp1:
0x30: {  	[sflag:s5] =	ssyncadd.s32 $0xFFFFFF80;
	(pc) =	sbr.rel @p1 .LBB2_1-.Ltmp1, $4  }
0x31: {  	[tilespmem:$0x100] =	vst @!p0 v9  }
0x32: {  	[hbm4b:s6+s9] =	stream.linear.scatter @!p0 [tilespmem:s10], [sflag:$0x2], $0x80, $0x38;
	[tilespmem:$0x180] =	vst v63  }
0x33: {  	_ =	swait.ge @!p0 [sflag:s8], $0x80  }
0x34: {  	[sflag:s8] =	ssyncset.done @!p0 $0x0  }
.LBB2_2:
0x35: {  	[sflag:s8] =	ssyncadd.s32 @!p0 $0xFFFFFF80  }
0x36: {  	_ =	sfence.sel $0x180000  }
0x37: {  	[bflag:$0x0] =	sbarrier.arrive $0xFFFF  }
0x38: {  	p0 =	sne.s32 s0, $0x0;
	_ =	strace $0x90000047  }
0x39: {  	s0 =	sadd.s32 @!p0 $0x100000, s1;
	[bflag:$0x2] =	sbarrier.arrive $0xFFFF  }
0x3a: {  	[sflag:s0] =	ssyncadd.tile.s32 @!p0 $0x1;
	_ =	shalt  }
.Lfunc_end2:
_tile_overlayer_lowered:
.L_overlay_start_2:
0x3b: {  	(tag) =	ssettag $0x2  }
0x3c: {  	s0 =	rddreg [dreg:$0x0];
	s2 =	stileid.u32  }
0x3d: {  	s1 =	rddreg [dreg:$0x1];
	p0 =	sne.s32 s2, $0x0  }
0x3e: {  	s3 =	rddreg [dreg:$0x2];
	[bflag:$0x3] =	sbarrier.arrive $0xFFFF;
	s2 =	simm.s32 @!p0 $0x1C02  }
0x3f: {  	[timem:s3], [sflag:s2] =	dma.local @!p0 [hbm:s0], s1  }
0x40: {  	s0 =	simm.s32 @!p0 $0x2  }
0x41: {  	_ =	swait.ge @!p0 [sflag:s0], s1  }
0x42: {  	s1 =	ssub.s32 @!p0 $0x0, s1;
	[sflag:s0] =	ssyncset.done @!p0 $0x0  }
0x43: {  	[sflag:s0] =	ssyncadd.s32 @!p0 s1  }
0x44: {  	[bflag:$0x3] =	sbarrier.arrive $0xFFFF  }
0x45: {  	_ =	shalt  }

</sc_bundles>
